<compile_context>
chip_gen: v7x
topology: tpu7x:2x2x1
jax: 0.10.2.dev20260603
libtpu: 0.0.44.dev20260713+nightly
codegen_flags: <defaults>
</compile_context>

<pallas_src>
import functools

import jax
import jax.numpy as jnp
from jax import lax
from jax.experimental import pallas as pl
from jax.experimental.pallas import tpu as pltpu
from jax.experimental.pallas import tpu_sc as plsc


def _make_gather(B, S, D):
    info = plsc.get_sparse_core_info()
    NC, NS, L = info.num_cores, info.num_subcores, info.num_lanes
    NW = NC * NS
    b_per_w = B // NW
    mesh = plsc.VectorSubcoreMesh(core_axis_name="c", subcore_axis_name="s")

    NCHUNK = 4
    rc = b_per_w // NCHUNK

    @functools.partial(
        pl.kernel,
        mesh=mesh,
        out_type=jax.ShapeDtypeStruct((B, D), jnp.float32),
        scratch_types=[
            pltpu.VMEM((b_per_w,), jnp.int32),
            pltpu.VMEM((b_per_w, D), jnp.float32),
            pltpu.SemaphoreType.DMA((NCHUNK,)),
            pltpu.SemaphoreType.DMA,
        ],
    )
    def k(table_hbm, idx_hbm, out_hbm, idx_v, rows_v, gsems, ssem):
        wid = lax.axis_index("s") * NC + lax.axis_index("c")
        base = wid * b_per_w
        pltpu.sync_copy(idx_hbm.at[pl.ds(base, b_per_w)], idx_v)
        for j in range(b_per_w // L):
            b0 = base + j * L
            lanes = lax.broadcasted_iota(jnp.int32, (L,), 0)
            idx_v[pl.ds(j * L, L)] = (
                idx_v[pl.ds(j * L, L)] + (b0 + lanes) * S
            )
        gathers = [
            pltpu.async_copy(
                table_hbm.at[idx_v.at[pl.ds(c * rc, rc)]],
                rows_v.at[pl.ds(c * rc, rc)],
                gsems.at[c],
            )
            for c in range(NCHUNK)
        ]
        stores = []
        for c in range(NCHUNK):
            gathers[c].wait()
            stores.append(
                pltpu.async_copy(
                    rows_v.at[pl.ds(c * rc, rc)],
                    out_hbm.at[pl.ds(base + c * rc, rc)],
                    ssem,
                )
            )
        for s in stores:
            s.wait()

    return k


def kernel(features, token_indexes):
    B, S, D = features.shape
    table = features.reshape(B * S, D)
    idx = token_indexes.reshape(-1).astype(jnp.int32)
    return _make_gather(B, S, D)(table, idx)

# --- scband reference (transcript-rebuilt; emitter-appended) ---
"""Pipeline reference for scband-token-cls-layer-38156489458191 (READ-ONLY COPY).

The authoritative reference and input builder live on the scoring server;
editing this copy changes nothing except your own understanding.
"""

import jax, jax.numpy as jnp
import numpy as np


def setup_inputs(seed: int = 0) -> dict:
    key = jax.random.key(seed)
    k1, k2 = jax.random.split(key)
    features = jax.random.normal(k1, (1024, 200, 768), dtype=jnp.float32)
    token_indexes = jax.random.randint(k2, (1024,), 0, 200, dtype=jnp.int64 if jax.config.read('jax_enable_x64') else jnp.int32)
    return {"features": features, "token_indexes": token_indexes}


def reference(features, token_indexes):
    # TokenClsLayer forward: for each batch row b, pick features[b, token_indexes[b], :]
    flat_idx = token_indexes.reshape(-1)
    b = jnp.arange(flat_idx.shape[0])
    return features[b, flat_idx, :]

if __name__ == "__main__":
    import jax
    _d = setup_inputs()
    print(jax.jit(kernel)(*tuple(_d.values())))

</pallas_src>

<mosaic_0001>
#map = affine_map<(d0, d1) -> (0, 0)>
#map1 = affine_map<(d0, d1) -> (0)>
module attributes {stable_mosaic.version = 14 : i64} {
  func.func @k(%arg0: i32, %arg1: i32, %arg2: memref<204800x768xf32, #tpu.memory_space<hbm>>, %arg3: memref<1024xi32, #tpu.memory_space<hbm>>, %arg4: memref<1024x768xf32, #tpu.memory_space<hbm>>, %arg5: memref<32xi32, #tpu.memory_space<vmem>>, %arg6: memref<32x768xf32, #tpu.memory_space<vmem>>, %arg7: memref<4x!tpu.dma_semaphore, #tpu.memory_space<semaphore_mem>>, %arg8: memref<!tpu.dma_semaphore, #tpu.memory_space<semaphore_mem>>) attributes {dimension_semantics = [#tpu.dimension_semantics<core_parallel>, #tpu.dimension_semantics<subcore_parallel>], iteration_bounds = array<i64: 2, 16>, scalar_prefetch = 0 : i64, scratch_operands = 4 : i64, tpu.core_type = #tpu.core_type<sc_vector_subcore>, window_params = [{transform_indices = #map}, {transform_indices = #map1}, {transform_indices = #map}]} {
    %mul3A = arith.constant 2 : i32
    %mul3A_0 = arith.muli %arg1, %mul3A : i32
    %add3A = arith.addi %mul3A_0, %arg0 : i32
    %mul3A_1 = arith.constant 32 : i32
    %mul3A_2 = arith.muli %add3A, %mul3A_1 : i32
    "tpu.region"() ({
      %run_scoped3A = tpu.sem_alloc : memref<!tpu.dma_semaphore, #tpu.memory_space<semaphore_mem>>
      %dma_start3A_206 = tpu.memref_slice %arg3[%mul3A_2] : memref<1024xi32, #tpu.memory_space<hbm>> -> memref<32xi32, #tpu.memory_space<hbm>>
      %dma_start3A_207 = tpu.memref_slice %arg3[%mul3A_2] : memref<1024xi32, #tpu.memory_space<hbm>> -> memref<32xi32, #tpu.memory_space<hbm>>
      tpu.enqueue_dma source(%dma_start3A_207 : memref<32xi32, #tpu.memory_space<hbm>>) target(%arg5 : memref<32xi32, #tpu.memory_space<vmem>>) target_semaphore(%run_scoped3A : memref<!tpu.dma_semaphore, #tpu.memory_space<semaphore_mem>>)
      %dma_wait3A_208 = tpu.memref_slice %arg3[%mul3A_2] : memref<1024xi32, #tpu.memory_space<hbm>> -> memref<32xi32, #tpu.memory_space<hbm>>
      %dma_wait3A_209 = tpu.memref_slice %arg3[%mul3A_2] : memref<1024xi32, #tpu.memory_space<hbm>> -> memref<32xi32, #tpu.memory_space<hbm>>
      tpu.wait_dma2 semaphore(%run_scoped3A : memref<!tpu.dma_semaphore, #tpu.memory_space<semaphore_mem>>) src(%dma_wait3A_209 : memref<32xi32, #tpu.memory_space<hbm>>) dst(%arg5 : memref<32xi32, #tpu.memory_space<vmem>>)
      tpu.yield
    }) : () -> ()
    %add3A_3 = arith.constant 0 : i32
    %add3A_4 = arith.addi %mul3A_2, %add3A_3 : i32
    %iota3A = tpu.iota {dimensions = array<i32: 0>} : vector<16xi32>
    %get3A = arith.constant 0 : index
    %get3A_5 = tpu.vector_load %arg5[%get3A] {strides = array<i32>} : memref<32xi32, #tpu.memory_space<vmem>>, vector<16xi32>,
    %get3A_6 = vector.shape_cast %get3A_5 : vector<16xi32> to vector<16xi32>
    %add3A_7 = vector.broadcast %add3A_4 : i32 to vector<16xi32>
    %add3A_8 = arith.addi %add3A_7, %iota3A : vector<16xi32>
    %mul3A_9 = arith.constant 200 : i32
    %mul3A_10 = vector.broadcast %mul3A_9 : i32 to vector<16xi32>
    %mul3A_11 = arith.muli %add3A_8, %mul3A_10 : vector<16xi32>
    %add3A_12 = arith.addi %get3A_6, %mul3A_11 : vector<16xi32>
    %swap3A = arith.constant 0 : index
    %swap3A_13 = tpu.vector_load %arg5[%swap3A] {strides = array<i32>} : memref<32xi32, #tpu.memory_space<vmem>>, vector<16xi32>,
    %swap3A_14 = vector.shape_cast %swap3A_13 : vector<16xi32> to vector<16xi32>
    %swap3A_15 = vector.shape_cast %add3A_12 : vector<16xi32> to vector<16xi32>
    tpu.vector_store %arg5[%swap3A], %swap3A_15 {strides = array<i32>} : memref<32xi32, #tpu.memory_space<vmem>>, vector<16xi32>,
    %add3A_16 = arith.constant 16 : i32
    %add3A_17 = arith.addi %mul3A_2, %add3A_16 : i32
    %iota3A_18 = tpu.iota {dimensions = array<i32: 0>} : vector<16xi32>
    %get3A_19 = arith.constant 16 : index
    %get3A_20 = tpu.vector_load %arg5[%get3A_19] {strides = array<i32>} : memref<32xi32, #tpu.memory_space<vmem>>, vector<16xi32>,
    %get3A_21 = vector.shape_cast %get3A_20 : vector<16xi32> to vector<16xi32>
    %add3A_22 = vector.broadcast %add3A_17 : i32 to vector<16xi32>
    %add3A_23 = arith.addi %add3A_22, %iota3A_18 : vector<16xi32>
    %mul3A_24 = arith.constant 200 : i32
    %mul3A_25 = vector.broadcast %mul3A_24 : i32 to vector<16xi32>
    %mul3A_26 = arith.muli %add3A_23, %mul3A_25 : vector<16xi32>
    %add3A_27 = arith.addi %get3A_21, %mul3A_26 : vector<16xi32>
    %swap3A_28 = arith.constant 16 : index
    %swap3A_29 = tpu.vector_load %arg5[%swap3A_28] {strides = array<i32>} : memref<32xi32, #tpu.memory_space<vmem>>, vector<16xi32>,
    %swap3A_30 = vector.shape_cast %swap3A_29 : vector<16xi32> to vector<16xi32>
    %swap3A_31 = vector.shape_cast %add3A_27 : vector<16xi32> to vector<16xi32>
    tpu.vector_store %arg5[%swap3A_28], %swap3A_31 {strides = array<i32>} : memref<32xi32, #tpu.memory_space<vmem>>, vector<16xi32>,
    %dma_start3A = arith.constant 0 : i32
    %dma_start3A_32 = arith.constant 0 : i32
    %dma_start3A_33 = arith.constant 0 : i32
    %dma_start3A_34 = tpu.memref_slice %arg6[%dma_start3A_32, %dma_start3A_33] : memref<32x768xf32, #tpu.memory_space<vmem>> -> memref<8x768xf32, #tpu.memory_space<vmem>>
    %dma_start3A_35 = arith.constant 0 : i32
    %dma_start3A_36 = tpu.memref_slice %arg5[%dma_start3A_35] : memref<32xi32, #tpu.memory_space<vmem>> -> memref<8xi32, #tpu.memory_space<vmem>>
    %dma_start3A_37 = arith.constant 0 : i32
    %dma_start3A_38 = arith.constant 0 : i32
    %dma_start3A_39 = tpu.memref_slice %arg2[%dma_start3A_37, %dma_start3A_38] : memref<204800x768xf32, #tpu.memory_space<hbm>> -> memref<204800x768xf32, #tpu.memory_space<hbm>>
    %dma_start3A_40 = tpu.memref_slice %arg7[%dma_start3A] : memref<4x!tpu.dma_semaphore, #tpu.memory_space<semaphore_mem>> -> memref<1x!tpu.dma_semaphore, #tpu.memory_space<semaphore_mem>>
    %dma_start3A_41 = tpu.memref_squeeze %dma_start3A_40 : memref<1x!tpu.dma_semaphore, #tpu.memory_space<semaphore_mem>> -> memref<!tpu.dma_semaphore, #tpu.memory_space<semaphore_mem>>
    tpu.enqueue_indirect_dma source(%dma_start3A_39 : memref<204800x768xf32, #tpu.memory_space<hbm>>) target(%dma_start3A_34 : memref<8x768xf32, #tpu.memory_space<vmem>>) offsets(%dma_start3A_36 : memref<8xi32, #tpu.memory_space<vmem>>) semaphore(%dma_start3A_41 : memref<!tpu.dma_semaphore, #tpu.memory_space<semaphore_mem>>)
    %dma_start3A_42 = arith.constant 1 : i32
    %dma_start3A_43 = arith.constant 8 : i32
    %dma_start3A_44 = arith.constant 0 : i32
    %dma_start3A_45 = tpu.memref_slice %arg6[%dma_start3A_43, %dma_start3A_44] : memref<32x768xf32, #tpu.memory_space<vmem>> -> memref<8x768xf32, #tpu.memory_space<vmem>>
    %dma_start3A_46 = arith.constant 8 : i32
    %dma_start3A_47 = tpu.memref_slice %arg5[%dma_start3A_46] : memref<32xi32, #tpu.memory_space<vmem>> -> memref<8xi32, #tpu.memory_space<vmem>>
    %dma_start3A_48 = arith.constant 0 : i32
    %dma_start3A_49 = arith.constant 0 : i32
    %dma_start3A_50 = tpu.memref_slice %arg2[%dma_start3A_48, %dma_start3A_49] : memref<204800x768xf32, #tpu.memory_space<hbm>> -> memref<204800x768xf32, #tpu.memory_space<hbm>>
    %dma_start3A_51 = tpu.memref_slice %arg7[%dma_start3A_42] : memref<4x!tpu.dma_semaphore, #tpu.memory_space<semaphore_mem>> -> memref<1x!tpu.dma_semaphore, #tpu.memory_space<semaphore_mem>>
    %dma_start3A_52 = tpu.memref_squeeze %dma_start3A_51 : memref<1x!tpu.dma_semaphore, #tpu.memory_space<semaphore_mem>> -> memref<!tpu.dma_semaphore, #tpu.memory_space<semaphore_mem>>
    tpu.enqueue_indirect_dma source(%dma_start3A_50 : memref<204800x768xf32, #tpu.memory_space<hbm>>) target(%dma_start3A_45 : memref<8x768xf32, #tpu.memory_space<vmem>>) offsets(%dma_start3A_47 : memref<8xi32, #tpu.memory_space<vmem>>) semaphore(%dma_start3A_52 : memref<!tpu.dma_semaphore, #tpu.memory_space<semaphore_mem>>)
    %dma_start3A_53 = arith.constant 2 : i32
    %dma_start3A_54 = arith.constant 16 : i32
    %dma_start3A_55 = arith.constant 0 : i32
    %dma_start3A_56 = tpu.memref_slice %arg6[%dma_start3A_54, %dma_start3A_55] : memref<32x768xf32, #tpu.memory_space<vmem>> -> memref<8x768xf32, #tpu.memory_space<vmem>>
    %dma_start3A_57 = arith.constant 16 : i32
    %dma_start3A_58 = tpu.memref_slice %arg5[%dma_start3A_57] : memref<32xi32, #tpu.memory_space<vmem>> -> memref<8xi32, #tpu.memory_space<vmem>>
    %dma_start3A_59 = arith.constant 0 : i32
    %dma_start3A_60 = arith.constant 0 : i32
    %dma_start3A_61 = tpu.memref_slice %arg2[%dma_start3A_59, %dma_start3A_60] : memref<204800x768xf32, #tpu.memory_space<hbm>> -> memref<204800x768xf32, #tpu.memory_space<hbm>>
    %dma_start3A_62 = tpu.memref_slice %arg7[%dma_start3A_53] : memref<4x!tpu.dma_semaphore, #tpu.memory_space<semaphore_mem>> -> memref<1x!tpu.dma_semaphore, #tpu.memory_space<semaphore_mem>>
    %dma_start3A_63 = tpu.memref_squeeze %dma_start3A_62 : memref<1x!tpu.dma_semaphore, #tpu.memory_space<semaphore_mem>> -> memref<!tpu.dma_semaphore, #tpu.memory_space<semaphore_mem>>
    tpu.enqueue_indirect_dma source(%dma_start3A_61 : memref<204800x768xf32, #tpu.memory_space<hbm>>) target(%dma_start3A_56 : memref<8x768xf32, #tpu.memory_space<vmem>>) offsets(%dma_start3A_58 : memref<8xi32, #tpu.memory_space<vmem>>) semaphore(%dma_start3A_63 : memref<!tpu.dma_semaphore, #tpu.memory_space<semaphore_mem>>)
    %dma_start3A_64 = arith.constant 3 : i32
    %dma_start3A_65 = arith.constant 24 : i32
    %dma_start3A_66 = arith.constant 0 : i32
    %dma_start3A_67 = tpu.memref_slice %arg6[%dma_start3A_65, %dma_start3A_66] : memref<32x768xf32, #tpu.memory_space<vmem>> -> memref<8x768xf32, #tpu.memory_space<vmem>>
    %dma_start3A_68 = arith.constant 24 : i32
    %dma_start3A_69 = tpu.memref_slice %arg5[%dma_start3A_68] : memref<32xi32, #tpu.memory_space<vmem>> -> memref<8xi32, #tpu.memory_space<vmem>>
    %dma_start3A_70 = arith.constant 0 : i32
    %dma_start3A_71 = arith.constant 0 : i32
    %dma_start3A_72 = tpu.memref_slice %arg2[%dma_start3A_70, %dma_start3A_71] : memref<204800x768xf32, #tpu.memory_space<hbm>> -> memref<204800x768xf32, #tpu.memory_space<hbm>>
    %dma_start3A_73 = tpu.memref_slice %arg7[%dma_start3A_64] : memref<4x!tpu.dma_semaphore, #tpu.memory_space<semaphore_mem>> -> memref<1x!tpu.dma_semaphore, #tpu.memory_space<semaphore_mem>>
    %dma_start3A_74 = tpu.memref_squeeze %dma_start3A_73 : memref<1x!tpu.dma_semaphore, #tpu.memory_space<semaphore_mem>> -> memref<!tpu.dma_semaphore, #tpu.memory_space<semaphore_mem>>
    tpu.enqueue_indirect_dma source(%dma_start3A_72 : memref<204800x768xf32, #tpu.memory_space<hbm>>) target(%dma_start3A_67 : memref<8x768xf32, #tpu.memory_space<vmem>>) offsets(%dma_start3A_69 : memref<8xi32, #tpu.memory_space<vmem>>) semaphore(%dma_start3A_74 : memref<!tpu.dma_semaphore, #tpu.memory_space<semaphore_mem>>)
    %dma_wait3A = arith.constant 0 : i32
    %dma_wait3A_75 = arith.constant 0 : i32
    %dma_wait3A_76 = arith.constant 0 : i32
    %dma_wait3A_77 = tpu.memref_slice %arg6[%dma_wait3A_75, %dma_wait3A_76] : memref<32x768xf32, #tpu.memory_space<vmem>> -> memref<8x768xf32, #tpu.memory_space<vmem>>
    %dma_wait3A_78 = arith.constant 0 : i32
    %dma_wait3A_79 = tpu.memref_slice %arg5[%dma_wait3A_78] : memref<32xi32, #tpu.memory_space<vmem>> -> memref<8xi32, #tpu.memory_space<vmem>>
    %dma_wait3A_80 = arith.constant 0 : i32
    %dma_wait3A_81 = arith.constant 0 : i32
    %dma_wait3A_82 = tpu.memref_slice %arg2[%dma_wait3A_80, %dma_wait3A_81] : memref<204800x768xf32, #tpu.memory_space<hbm>> -> memref<204800x768xf32, #tpu.memory_space<hbm>>
    %dma_wait3A_83 = tpu.memref_slice %arg7[%dma_wait3A] : memref<4x!tpu.dma_semaphore, #tpu.memory_space<semaphore_mem>> -> memref<1x!tpu.dma_semaphore, #tpu.memory_space<semaphore_mem>>
    %dma_wait3A_84 = tpu.memref_squeeze %dma_wait3A_83 : memref<1x!tpu.dma_semaphore, #tpu.memory_space<semaphore_mem>> -> memref<!tpu.dma_semaphore, #tpu.memory_space<semaphore_mem>>
    tpu.wait_indirect_dma semaphore(%dma_wait3A_84 : memref<!tpu.dma_semaphore, #tpu.memory_space<semaphore_mem>>) src(%dma_wait3A_82 : memref<204800x768xf32, #tpu.memory_space<hbm>>) dst(%dma_wait3A_77 : memref<8x768xf32, #tpu.memory_space<vmem>>)
    %add3A_85 = arith.constant 0 : i32
    %add3A_86 = arith.addi %mul3A_2, %add3A_85 : i32
    %dma_start3A_87 = arith.constant 0 : i32
    %dma_start3A_88 = arith.constant 0 : i32
    %dma_start3A_89 = tpu.memref_slice %arg6[%dma_start3A_87, %dma_start3A_88] : memref<32x768xf32, #tpu.memory_space<vmem>> -> memref<8x768xf32, #tpu.memory_space<vmem>>
    %dma_start3A_90 = arith.constant 0 : i32
    %dma_start3A_91 = tpu.memref_slice %arg4[%add3A_86, %dma_start3A_90] : memref<1024x768xf32, #tpu.memory_space<hbm>> -> memref<8x768xf32, #tpu.memory_space<hbm>>
    %dma_start3A_92 = arith.constant 0 : i32
    %dma_start3A_93 = tpu.memref_slice %arg4[%add3A_86, %dma_start3A_92] : memref<1024x768xf32, #tpu.memory_space<hbm>> -> memref<8x768xf32, #tpu.memory_space<hbm>>
    %dma_start3A_94 = arith.constant 0 : i32
    %dma_start3A_95 = arith.constant 0 : i32
    %dma_start3A_96 = tpu.memref_slice %arg6[%dma_start3A_94, %dma_start3A_95] : memref<32x768xf32, #tpu.memory_space<vmem>> -> memref<8x768xf32, #tpu.memory_space<vmem>>
    tpu.enqueue_dma source(%dma_start3A_96 : memref<8x768xf32, #tpu.memory_space<vmem>>) target(%dma_start3A_93 : memref<8x768xf32, #tpu.memory_space<hbm>>) target_semaphore(%arg8 : memref<!tpu.dma_semaphore, #tpu.memory_space<semaphore_mem>>)
    %dma_wait3A_97 = arith.constant 1 : i32
    %dma_wait3A_98 = arith.constant 8 : i32
    %dma_wait3A_99 = arith.constant 0 : i32
    %dma_wait3A_100 = tpu.memref_slice %arg6[%dma_wait3A_98, %dma_wait3A_99] : memref<32x768xf32, #tpu.memory_space<vmem>> -> memref<8x768xf32, #tpu.memory_space<vmem>>
    %dma_wait3A_101 = arith.constant 8 : i32
    %dma_wait3A_102 = tpu.memref_slice %arg5[%dma_wait3A_101] : memref<32xi32, #tpu.memory_space<vmem>> -> memref<8xi32, #tpu.memory_space<vmem>>
    %dma_wait3A_103 = arith.constant 0 : i32
    %dma_wait3A_104 = arith.constant 0 : i32
    %dma_wait3A_105 = tpu.memref_slice %arg2[%dma_wait3A_103, %dma_wait3A_104] : memref<204800x768xf32, #tpu.memory_space<hbm>> -> memref<204800x768xf32, #tpu.memory_space<hbm>>
    %dma_wait3A_106 = tpu.memref_slice %arg7[%dma_wait3A_97] : memref<4x!tpu.dma_semaphore, #tpu.memory_space<semaphore_mem>> -> memref<1x!tpu.dma_semaphore, #tpu.memory_space<semaphore_mem>>
    %dma_wait3A_107 = tpu.memref_squeeze %dma_wait3A_106 : memref<1x!tpu.dma_semaphore, #tpu.memory_space<semaphore_mem>> -> memref<!tpu.dma_semaphore, #tpu.memory_space<semaphore_mem>>
    tpu.wait_indirect_dma semaphore(%dma_wait3A_107 : memref<!tpu.dma_semaphore, #tpu.memory_space<semaphore_mem>>) src(%dma_wait3A_105 : memref<204800x768xf32, #tpu.memory_space<hbm>>) dst(%dma_wait3A_100 : memref<8x768xf32, #tpu.memory_space<vmem>>)
    %add3A_108 = arith.constant 8 : i32
    %add3A_109 = arith.addi %mul3A_2, %add3A_108 : i32
    %dma_start3A_110 = arith.constant 8 : i32
    %dma_start3A_111 = arith.constant 0 : i32
    %dma_start3A_112 = tpu.memref_slice %arg6[%dma_start3A_110, %dma_start3A_111] : memref<32x768xf32, #tpu.memory_space<vmem>> -> memref<8x768xf32, #tpu.memory_space<vmem>>
    %dma_start3A_113 = arith.constant 0 : i32
    %dma_start3A_114 = tpu.memref_slice %arg4[%add3A_109, %dma_start3A_113] : memref<1024x768xf32, #tpu.memory_space<hbm>> -> memref<8x768xf32, #tpu.memory_space<hbm>>
    %dma_start3A_115 = arith.constant 0 : i32
    %dma_start3A_116 = tpu.memref_slice %arg4[%add3A_109, %dma_start3A_115] : memref<1024x768xf32, #tpu.memory_space<hbm>> -> memref<8x768xf32, #tpu.memory_space<hbm>>
    %dma_start3A_117 = arith.constant 8 : i32
    %dma_start3A_118 = arith.constant 0 : i32
    %dma_start3A_119 = tpu.memref_slice %arg6[%dma_start3A_117, %dma_start3A_118] : memref<32x768xf32, #tpu.memory_space<vmem>> -> memref<8x768xf32, #tpu.memory_space<vmem>>
    tpu.enqueue_dma source(%dma_start3A_119 : memref<8x768xf32, #tpu.memory_space<vmem>>) target(%dma_start3A_116 : memref<8x768xf32, #tpu.memory_space<hbm>>) target_semaphore(%arg8 : memref<!tpu.dma_semaphore, #tpu.memory_space<semaphore_mem>>)
    %dma_wait3A_120 = arith.constant 2 : i32
    %dma_wait3A_121 = arith.constant 16 : i32
    %dma_wait3A_122 = arith.constant 0 : i32
    %dma_wait3A_123 = tpu.memref_slice %arg6[%dma_wait3A_121, %dma_wait3A_122] : memref<32x768xf32, #tpu.memory_space<vmem>> -> memref<8x768xf32, #tpu.memory_space<vmem>>
    %dma_wait3A_124 = arith.constant 16 : i32
    %dma_wait3A_125 = tpu.memref_slice %arg5[%dma_wait3A_124] : memref<32xi32, #tpu.memory_space<vmem>> -> memref<8xi32, #tpu.memory_space<vmem>>
    %dma_wait3A_126 = arith.constant 0 : i32
    %dma_wait3A_127 = arith.constant 0 : i32
    %dma_wait3A_128 = tpu.memref_slice %arg2[%dma_wait3A_126, %dma_wait3A_127] : memref<204800x768xf32, #tpu.memory_space<hbm>> -> memref<204800x768xf32, #tpu.memory_space<hbm>>
    %dma_wait3A_129 = tpu.memref_slice %arg7[%dma_wait3A_120] : memref<4x!tpu.dma_semaphore, #tpu.memory_space<semaphore_mem>> -> memref<1x!tpu.dma_semaphore, #tpu.memory_space<semaphore_mem>>
    %dma_wait3A_130 = tpu.memref_squeeze %dma_wait3A_129 : memref<1x!tpu.dma_semaphore, #tpu.memory_space<semaphore_mem>> -> memref<!tpu.dma_semaphore, #tpu.memory_space<semaphore_mem>>
    tpu.wait_indirect_dma semaphore(%dma_wait3A_130 : memref<!tpu.dma_semaphore, #tpu.memory_space<semaphore_mem>>) src(%dma_wait3A_128 : memref<204800x768xf32, #tpu.memory_space<hbm>>) dst(%dma_wait3A_123 : memref<8x768xf32, #tpu.memory_space<vmem>>)
    %add3A_131 = arith.constant 16 : i32
    %add3A_132 = arith.addi %mul3A_2, %add3A_131 : i32
    %dma_start3A_133 = arith.constant 16 : i32
    %dma_start3A_134 = arith.constant 0 : i32
    %dma_start3A_135 = tpu.memref_slice %arg6[%dma_start3A_133, %dma_start3A_134] : memref<32x768xf32, #tpu.memory_space<vmem>> -> memref<8x768xf32, #tpu.memory_space<vmem>>
    %dma_start3A_136 = arith.constant 0 : i32
    %dma_start3A_137 = tpu.memref_slice %arg4[%add3A_132, %dma_start3A_136] : memref<1024x768xf32, #tpu.memory_space<hbm>> -> memref<8x768xf32, #tpu.memory_space<hbm>>
    %dma_start3A_138 = arith.constant 0 : i32
    %dma_start3A_139 = tpu.memref_slice %arg4[%add3A_132, %dma_start3A_138] : memref<1024x768xf32, #tpu.memory_space<hbm>> -> memref<8x768xf32, #tpu.memory_space<hbm>>
    %dma_start3A_140 = arith.constant 16 : i32
    %dma_start3A_141 = arith.constant 0 : i32
    %dma_start3A_142 = tpu.memref_slice %arg6[%dma_start3A_140, %dma_start3A_141] : memref<32x768xf32, #tpu.memory_space<vmem>> -> memref<8x768xf32, #tpu.memory_space<vmem>>
    tpu.enqueue_dma source(%dma_start3A_142 : memref<8x768xf32, #tpu.memory_space<vmem>>) target(%dma_start3A_139 : memref<8x768xf32, #tpu.memory_space<hbm>>) target_semaphore(%arg8 : memref<!tpu.dma_semaphore, #tpu.memory_space<semaphore_mem>>)
    %dma_wait3A_143 = arith.constant 3 : i32
    %dma_wait3A_144 = arith.constant 24 : i32
    %dma_wait3A_145 = arith.constant 0 : i32
    %dma_wait3A_146 = tpu.memref_slice %arg6[%dma_wait3A_144, %dma_wait3A_145] : memref<32x768xf32, #tpu.memory_space<vmem>> -> memref<8x768xf32, #tpu.memory_space<vmem>>
    %dma_wait3A_147 = arith.constant 24 : i32
    %dma_wait3A_148 = tpu.memref_slice %arg5[%dma_wait3A_147] : memref<32xi32, #tpu.memory_space<vmem>> -> memref<8xi32, #tpu.memory_space<vmem>>
    %dma_wait3A_149 = arith.constant 0 : i32
    %dma_wait3A_150 = arith.constant 0 : i32
    %dma_wait3A_151 = tpu.memref_slice %arg2[%dma_wait3A_149, %dma_wait3A_150] : memref<204800x768xf32, #tpu.memory_space<hbm>> -> memref<204800x768xf32, #tpu.memory_space<hbm>>
    %dma_wait3A_152 = tpu.memref_slice %arg7[%dma_wait3A_143] : memref<4x!tpu.dma_semaphore, #tpu.memory_space<semaphore_mem>> -> memref<1x!tpu.dma_semaphore, #tpu.memory_space<semaphore_mem>>
    %dma_wait3A_153 = tpu.memref_squeeze %dma_wait3A_152 : memref<1x!tpu.dma_semaphore, #tpu.memory_space<semaphore_mem>> -> memref<!tpu.dma_semaphore, #tpu.memory_space<semaphore_mem>>
    tpu.wait_indirect_dma semaphore(%dma_wait3A_153 : memref<!tpu.dma_semaphore, #tpu.memory_space<semaphore_mem>>) src(%dma_wait3A_151 : memref<204800x768xf32, #tpu.memory_space<hbm>>) dst(%dma_wait3A_146 : memref<8x768xf32, #tpu.memory_space<vmem>>)
    %add3A_154 = arith.constant 24 : i32
    %add3A_155 = arith.addi %mul3A_2, %add3A_154 : i32
    %dma_start3A_156 = arith.constant 24 : i32
    %dma_start3A_157 = arith.constant 0 : i32
    %dma_start3A_158 = tpu.memref_slice %arg6[%dma_start3A_156, %dma_start3A_157] : memref<32x768xf32, #tpu.memory_space<vmem>> -> memref<8x768xf32, #tpu.memory_space<vmem>>
    %dma_start3A_159 = arith.constant 0 : i32
    %dma_start3A_160 = tpu.memref_slice %arg4[%add3A_155, %dma_start3A_159] : memref<1024x768xf32, #tpu.memory_space<hbm>> -> memref<8x768xf32, #tpu.memory_space<hbm>>
    %dma_start3A_161 = arith.constant 0 : i32
    %dma_start3A_162 = tpu.memref_slice %arg4[%add3A_155, %dma_start3A_161] : memref<1024x768xf32, #tpu.memory_space<hbm>> -> memref<8x768xf32, #tpu.memory_space<hbm>>
    %dma_start3A_163 = arith.constant 24 : i32
    %dma_start3A_164 = arith.constant 0 : i32
    %dma_start3A_165 = tpu.memref_slice %arg6[%dma_start3A_163, %dma_start3A_164] : memref<32x768xf32, #tpu.memory_space<vmem>> -> memref<8x768xf32, #tpu.memory_space<vmem>>
    tpu.enqueue_dma source(%dma_start3A_165 : memref<8x768xf32, #tpu.memory_space<vmem>>) target(%dma_start3A_162 : memref<8x768xf32, #tpu.memory_space<hbm>>) target_semaphore(%arg8 : memref<!tpu.dma_semaphore, #tpu.memory_space<semaphore_mem>>)
    %dma_wait3A_166 = arith.constant 0 : i32
    %dma_wait3A_167 = arith.constant 0 : i32
    %dma_wait3A_168 = tpu.memref_slice %arg6[%dma_wait3A_166, %dma_wait3A_167] : memref<32x768xf32, #tpu.memory_space<vmem>> -> memref<8x768xf32, #tpu.memory_space<vmem>>
    %dma_wait3A_169 = arith.constant 0 : i32
    %dma_wait3A_170 = tpu.memref_slice %arg4[%add3A_86, %dma_wait3A_169] : memref<1024x768xf32, #tpu.memory_space<hbm>> -> memref<8x768xf32, #tpu.memory_space<hbm>>
    %dma_wait3A_171 = arith.constant 0 : i32
    %dma_wait3A_172 = tpu.memref_slice %arg4[%add3A_86, %dma_wait3A_171] : memref<1024x768xf32, #tpu.memory_space<hbm>> -> memref<8x768xf32, #tpu.memory_space<hbm>>
    %dma_wait3A_173 = arith.constant 0 : i32
    %dma_wait3A_174 = arith.constant 0 : i32
    %dma_wait3A_175 = tpu.memref_slice %arg6[%dma_wait3A_173, %dma_wait3A_174] : memref<32x768xf32, #tpu.memory_space<vmem>> -> memref<8x768xf32, #tpu.memory_space<vmem>>
    tpu.wait_dma2 semaphore(%arg8 : memref<!tpu.dma_semaphore, #tpu.memory_space<semaphore_mem>>) src(%dma_wait3A_175 : memref<8x768xf32, #tpu.memory_space<vmem>>) dst(%dma_wait3A_172 : memref<8x768xf32, #tpu.memory_space<hbm>>)
    %dma_wait3A_176 = arith.constant 8 : i32
    %dma_wait3A_177 = arith.constant 0 : i32
    %dma_wait3A_178 = tpu.memref_slice %arg6[%dma_wait3A_176, %dma_wait3A_177] : memref<32x768xf32, #tpu.memory_space<vmem>> -> memref<8x768xf32, #tpu.memory_space<vmem>>
    %dma_wait3A_179 = arith.constant 0 : i32
    %dma_wait3A_180 = tpu.memref_slice %arg4[%add3A_109, %dma_wait3A_179] : memref<1024x768xf32, #tpu.memory_space<hbm>> -> memref<8x768xf32, #tpu.memory_space<hbm>>
    %dma_wait3A_181 = arith.constant 0 : i32
    %dma_wait3A_182 = tpu.memref_slice %arg4[%add3A_109, %dma_wait3A_181] : memref<1024x768xf32, #tpu.memory_space<hbm>> -> memref<8x768xf32, #tpu.memory_space<hbm>>
    %dma_wait3A_183 = arith.constant 8 : i32
    %dma_wait3A_184 = arith.constant 0 : i32
    %dma_wait3A_185 = tpu.memref_slice %arg6[%dma_wait3A_183, %dma_wait3A_184] : memref<32x768xf32, #tpu.memory_space<vmem>> -> memref<8x768xf32, #tpu.memory_space<vmem>>
    tpu.wait_dma2 semaphore(%arg8 : memref<!tpu.dma_semaphore, #tpu.memory_space<semaphore_mem>>) src(%dma_wait3A_185 : memref<8x768xf32, #tpu.memory_space<vmem>>) dst(%dma_wait3A_182 : memref<8x768xf32, #tpu.memory_space<hbm>>)
    %dma_wait3A_186 = arith.constant 16 : i32
    %dma_wait3A_187 = arith.constant 0 : i32
    %dma_wait3A_188 = tpu.memref_slice %arg6[%dma_wait3A_186, %dma_wait3A_187] : memref<32x768xf32, #tpu.memory_space<vmem>> -> memref<8x768xf32, #tpu.memory_space<vmem>>
    %dma_wait3A_189 = arith.constant 0 : i32
    %dma_wait3A_190 = tpu.memref_slice %arg4[%add3A_132, %dma_wait3A_189] : memref<1024x768xf32, #tpu.memory_space<hbm>> -> memref<8x768xf32, #tpu.memory_space<hbm>>
    %dma_wait3A_191 = arith.constant 0 : i32
    %dma_wait3A_192 = tpu.memref_slice %arg4[%add3A_132, %dma_wait3A_191] : memref<1024x768xf32, #tpu.memory_space<hbm>> -> memref<8x768xf32, #tpu.memory_space<hbm>>
    %dma_wait3A_193 = arith.constant 16 : i32
    %dma_wait3A_194 = arith.constant 0 : i32
    %dma_wait3A_195 = tpu.memref_slice %arg6[%dma_wait3A_193, %dma_wait3A_194] : memref<32x768xf32, #tpu.memory_space<vmem>> -> memref<8x768xf32, #tpu.memory_space<vmem>>
    tpu.wait_dma2 semaphore(%arg8 : memref<!tpu.dma_semaphore, #tpu.memory_space<semaphore_mem>>) src(%dma_wait3A_195 : memref<8x768xf32, #tpu.memory_space<vmem>>) dst(%dma_wait3A_192 : memref<8x768xf32, #tpu.memory_space<hbm>>)
    %dma_wait3A_196 = arith.constant 24 : i32
    %dma_wait3A_197 = arith.constant 0 : i32
    %dma_wait3A_198 = tpu.memref_slice %arg6[%dma_wait3A_196, %dma_wait3A_197] : memref<32x768xf32, #tpu.memory_space<vmem>> -> memref<8x768xf32, #tpu.memory_space<vmem>>
    %dma_wait3A_199 = arith.constant 0 : i32
    %dma_wait3A_200 = tpu.memref_slice %arg4[%add3A_155, %dma_wait3A_199] : memref<1024x768xf32, #tpu.memory_space<hbm>> -> memref<8x768xf32, #tpu.memory_space<hbm>>
    %dma_wait3A_201 = arith.constant 0 : i32
    %dma_wait3A_202 = tpu.memref_slice %arg4[%add3A_155, %dma_wait3A_201] : memref<1024x768xf32, #tpu.memory_space<hbm>> -> memref<8x768xf32, #tpu.memory_space<hbm>>
    %dma_wait3A_203 = arith.constant 24 : i32
    %dma_wait3A_204 = arith.constant 0 : i32
    %dma_wait3A_205 = tpu.memref_slice %arg6[%dma_wait3A_203, %dma_wait3A_204] : memref<32x768xf32, #tpu.memory_space<vmem>> -> memref<8x768xf32, #tpu.memory_space<vmem>>
    tpu.wait_dma2 semaphore(%arg8 : memref<!tpu.dma_semaphore, #tpu.memory_space<semaphore_mem>>) src(%dma_wait3A_205 : memref<8x768xf32, #tpu.memory_space<vmem>>) dst(%dma_wait3A_202 : memref<8x768xf32, #tpu.memory_space<hbm>>)
    return
  }
}

</mosaic_0001>

<sc_bundles>
// kernel: kernel.3.cloned.1.call-start
scs
__scs_entry_jumppad:
0x0: {  	(pc) =	sbr.rel $0x88, $3  }
0x1: {  	(tag) =	ssettag $0x0;
	lr =	simm.s32 $0x1  }
0x2: {  	[smem:$0x3F9F] =	sst lr;
	_ =	strace $0xD0000000  }
0x3: {  	_ = 	snop  }
0x4: {  	_ = 	snop  }
0x5: {  	_ = 	snop  }
0x6: {  	_ = 	snop  }
0x7: {  	_ = 	snop  }
__scs_overlays_trampoline_lowered:
0x8: {  	[smem:$0x3FAE] =	sst s0  }
0x9: {  	[smem:$0x3FAF] =	sst s1  }
0xa: {  	[smem:$0x3FB0] =	sst s2  }
0xb: {  	[smem:$0x3FB1] =	sst s3  }
0xc: {  	[smem:$0x3FB2] =	sst s4  }
0xd: {  	[smem:$0x3FB3] =	sst s5  }
0xe: {  	[smem:$0x3FB4] =	sst s6  }
0xf: {  	[smem:$0x3FB5] =	sst s7  }
0x10: {  	[smem:$0x3FB6] =	sst s8  }
0x11: {  	[smem:$0x3FB7] =	sst s9;
	s0 =	simm.s32 @!p0 $0x0  }
0x12: {  	s1 =	sld [smem:$0x3F9D];
	s0 =	simm.s32 @p0 $0x1  }
0x13: {  	[smem:$0x3FB8] =	sst s0;
	s0 =	simm.s32 @!p1 $0x0  }
0x14: {  	s2 =	sld [smem:$0x3F9C];
	s0 =	simm.s32 @p1 $0x1  }
0x15: {  	[smem:$0x3FB9] =	sst s0;
	s0 =	simm.s32 @!p2 $0x0  }
0x16: {  	s3 =	sld [smem:$0x3FDB];
	s0 =	simm.s32 @p2 $0x1  }
0x17: {  	s4 =	simm.s32 $0x1BF5;
	[smem:$0x3FBB] =	sst s0  }
0x18: {  	s0 =	sld [smem:$0x3F9E];
	_ =	swait.ge [sflag:s4], $0x0  }
0x19: {  	s7 =	sld [smem:$0x3F9F]  }
0x1a: {  	s8 =	sadd.s32 $0xFFFFE003, lr  }
0x1b: {  	s9 =	sadd.s32 $0xFFFFFEF7, lr;
	s5 =	simm.s32 $0xFFFFFFFF;
	p2 =	slt.u32 s8, $0xFFFFF086  }
0x1c: {  	p1 =	slt.u32 s9, $0xF7A;
	s5 =	simm.s32 @!p2 $0x0  }
0x1d: {  	s5 =	simm.s32 @p1 $0x1;
	p0 =	seq.s32 s7, s2  }
0x1e: {  	s7 =	smul.u32 @!p0 $0xF7A, s2;
	p2 =	seq.s32 @!p0 s5, $0x0  }
0x1f: {  	s9 =	smul.u32 $0xF7A, s1;
	s8 =	simm.s32 @!p0 $0x1BF5;
	p2 =	por !p2, p0  }
0x20: {  	[sflag:s8] =	ssyncset.s32 @!p0 $0xFFFFF086;
	s6 =	sadd.s32 @!p0 s3, s7;
	s7 =	simm.s32 @!p0 $0x108  }
0x21: {  	s3 =	sadd.s32 s3, s9;
	s6 =	sadd.s32 @!p0 $0x88, s6;
	s7 =	simm.s32 @p2 $0x1082  }
0x22: {  	[simem:s7], [sflag:s8] =	dma.local @!p0 [hbm:s6], $0xF7A  }
0x23: {  	s9 =	sor.u32 $0xD0000000, s2;
	s6 =	simm.s32 $0x108;
	_ =	swait.ge @!p0 [sflag:s8], $0x0  }
0x24: {  	s3 =	sadd.s32 $0x88, s3;
	s6 =	simm.s32 @!p1 $0x1082;
	[sflag:s4] =	ssyncset.s32 $0xFFFFF086  }
0x25: {  	[simem:s6], [sflag:s4] =	dma.local [hbm:s3], $0xF7A  }
0x26: {  	[smem:$0x3F9F] =	sst s1;
	(tag) =	ssettag s2;
	_ =	strace s9  }
0x27: {  	s1 =	sld [smem:$0x3FAF]  }
0x28: {  	s2 =	sld [smem:$0x3FB0]  }
0x29: {  	s4 =	sld [smem:$0x3FB2]  }
0x2a: {  	p0 =	seq.s32 s5, $0x0;
	s5 =	sld [smem:$0x3FB3]  }
0x2b: {  	s6 =	sld [smem:$0x3FB4]  }
0x2c: {  	s7 =	sld [smem:$0x3FB5]  }
0x2d: {  	s3 =	simm.s32 $0x108;
	s8 =	sld [smem:$0x3FB6]  }
0x2e: {  	s3 =	simm.s32 @!p0 $0x1082;
	s9 =	sld [smem:$0x3FB7]  }
0x2f: {  	lr =	sadd.s32 s0, s3;
	s0 =	sld [smem:$0x3FAE]  }
0x30: {  	s3 =	sld [smem:$0x3FB1]  }
0x31: {  	[smem:$0x3FBA] =	sst s10  }
0x32: {  	s10 =	sld [smem:$0x3FB8];
	_ =	sdelay $0x3  }
0x33: {  	p0 =	seq.s32 s10, $0x1;
	s10 =	sld [smem:$0x3FBA];
	_ =	sdelay $0x3  }
0x34: {  	[smem:$0x3FBA] =	sst s10  }
0x35: {  	s10 =	sld [smem:$0x3FB9];
	_ =	sdelay $0x3  }
0x36: {  	p1 =	seq.s32 s10, $0x1;
	s10 =	sld [smem:$0x3FBA];
	_ =	sdelay $0x3  }
0x37: {  	[smem:$0x3FBA] =	sst s10  }
0x38: {  	s10 =	sld [smem:$0x3FBB]  }
0x39: {  	_ = 	snop;
	(pc) =	sbr.ind lr, $3  }
0x3a: {  	_ = 	snop  }
0x3b: {  	_ = 	snop  }
0x3c: {  	p2 =	seq.s32 s10, $0x1;
	s10 =	sld [smem:$0x3FBA]  }
0x3d: {  	_ =	shalt  }
0x3e: {  	_ =	shalt  }
0x3f: {  	_ =	shalt  }
0x40: {  	_ =	shalt  }
0x41: {  	_ =	shalt  }
0x42: {  	_ =	shalt  }
0x43: {  	_ =	shalt  }
0x44: {  	_ =	shalt  }
0x45: {  	_ =	shalt  }
0x46: {  	_ =	shalt  }
0x47: {  	_ =	shalt  }
0x48: {  	_ =	shalt  }
0x49: {  	_ =	shalt  }
0x4a: {  	_ =	shalt  }
0x4b: {  	_ =	shalt  }
0x4c: {  	_ =	shalt  }
0x4d: {  	_ =	shalt  }
0x4e: {  	_ =	shalt  }
0x4f: {  	_ =	shalt  }
0x50: {  	_ =	shalt  }
0x51: {  	_ =	shalt  }
0x52: {  	_ =	shalt  }
0x53: {  	_ =	shalt  }
0x54: {  	_ =	shalt  }
0x55: {  	_ =	shalt  }
0x56: {  	_ =	shalt  }
0x57: {  	_ =	shalt  }
0x58: {  	_ =	shalt  }
0x59: {  	_ =	shalt  }
0x5a: {  	_ =	shalt  }
0x5b: {  	_ =	shalt  }
0x5c: {  	_ =	shalt  }
0x5d: {  	_ =	shalt  }
0x5e: {  	_ =	shalt  }
0x5f: {  	_ =	shalt  }
0x60: {  	_ =	shalt  }
0x61: {  	_ =	shalt  }
0x62: {  	_ =	shalt  }
0x63: {  	_ =	shalt  }
0x64: {  	_ =	shalt  }
0x65: {  	_ =	shalt  }
0x66: {  	_ =	shalt  }
0x67: {  	_ =	shalt  }
0x68: {  	_ =	shalt  }
0x69: {  	_ =	shalt  }
0x6a: {  	_ =	shalt  }
0x6b: {  	_ =	shalt  }
0x6c: {  	_ =	shalt  }
0x6d: {  	_ =	shalt  }
0x6e: {  	_ =	shalt  }
0x6f: {  	_ =	shalt  }
0x70: {  	_ =	shalt  }
0x71: {  	_ =	shalt  }
0x72: {  	_ =	shalt  }
0x73: {  	_ =	shalt  }
0x74: {  	_ =	shalt  }
0x75: {  	_ =	shalt  }
0x76: {  	_ =	shalt  }
0x77: {  	_ =	shalt  }
0x78: {  	_ =	shalt  }
0x79: {  	_ =	shalt  }
0x7a: {  	_ =	shalt  }
0x7b: {  	_ =	shalt  }
0x7c: {  	_ =	shalt  }
0x7d: {  	_ =	shalt  }
0x7e: {  	_ =	shalt  }
0x7f: {  	_ =	shalt  }
0x80: {  	_ =	shalt  }
0x81: {  	_ =	shalt  }
0x82: {  	_ =	shalt  }
0x83: {  	_ =	shalt  }
0x84: {  	_ =	shalt  }
0x85: {  	_ =	shalt  }
0x86: {  	_ =	shalt  }
0x87: {  	_ =	shalt  }
.Lfunc_end0:
.L_simem_size_0:
called_computation_lowered:
.L_overlay_start_0:
0x88: {  	s2 =	sld [smem:$0x3FD9]  }
0x89: {  	s3 =	sld [smem:$0x3FFE];
	_ =	sdelay $0x1  }
0x8a: {  	s1 =	srdreg.scid  }
0x8b: {  	s0 =	sand.u32 $0x1, s1  }
0x8c: {  	s18 =	sshll.u32 s0, $0xA;
	s2 =	sadd.s32 s3, s2  }
0x8d: {  	s2 =	sadd.s32 s2, s18  }
0x8e: {  	[smem:$0x3FC6] =	sst s2  }
0x8f: {  	_ = 	snop  }
0x90: {  	s2 =	sld [smem:$0x3FC9]  }
0x91: {  	s19 =	sld [smem:$0x3FC8]  }
0x92: {  	s4 =	sld [smem:$0x3FD0];
	(tm) =	ssettm $0x1  }
0x93: {  	s5 =	sld [smem:$0x3FFB];
	_ =	sdelay $0x3  }
0x94: {  	_ =	strace s5  }
0x95: {  	s5 =	sld [smem:$0x3FFC];
	_ =	sdelay $0x3  }
0x96: {  	_ =	strace s5  }
0x97: {  	s5 =	sld [smem:$0x3FFD];
	_ =	sdelay $0x3  }
0x98: {  	_ =	strace s5  }
0x99: {  	_ =	strace $0x8FFFFFFF  }
0x9a: {  	s20 =	sld [smem:$0x3FDB];
	_ =	sdelay $0x1  }
0x9b: {  	s6 =	simm.s32 $_scs_section_size  }
0x9c: {  	s7 =	simm.s32 $_size__tile_overlayer_lowered;
	s8 =	simm.s32 $_tile_overlayer_lowered  }
0x9d: {  	s23 =	simm.s32 $0x1BFF;
	s22 =	sshll.u32 s8, $0x1;
	s5 =	sadd.s32 s6, s20  }
0x9e: {  	s9 =	simm.s32 $0x0;
	s21 =	sshll.u32 s7, $0x1;
	s7 =	sadd.s32 s22, s5  }
0x9f: {  	[timem:s9], [sflag:s23] =	dma.local [hbm:s7], s21  }
0xa0: {  	_ =	swait.ge [sflag:s23], s21  }
0xa1: {  	s6 =	ssub.s32 $0x0, s21;
	[sflag:s23] =	ssyncset.done $0x0  }
0xa2: {  	[sflag:s23] =	ssyncadd.s32 s6;
	_ =	sdelay $0x1  }
0xa3: {  	s24 =	simm.s32 $0x1B8B  }
0xa4: {  	_ =	swait.ge [sflag:s24], $0x1  }
0xa5: {  	[sflag:s24] =	ssyncset.done $0x0  }
0xa6: {  	s25 =	simm.s32 $0x1B8E;
	[sflag:s24] =	ssyncadd.s32 $0xFFFFFFFF  }
0xa7: {  	s26 =	simm.s32 $execute0_lowered;
	[smem:$0x3FD2] =	sst s25  }
0xa8: {  	s6 =	sshll.u32 s26, $0x1;
	_ =	strace $0x80000046;
	[dreg:$0x1] =	wrdreg $0xFFFFFFFF  }
0xa9: {  	s28 =	simm.s32 $_size_execute0_lowered;
	s5 =	sadd.s32 s5, s6;
	[dreg:$0x0] =	wrdreg $0x0  }
0xaa: {  	s6 =	sshll.u32 s28, $0x1;
	[dreg:$0x2] =	wrdreg s5  }
0xab: {  	[dreg:$0x3] =	wrdreg s6  }
0xac: {  	[dreg:$0x4] =	wrdreg $0xC0  }
0xad: {  	_ =	task [dreg:s9], $0x5FFFF  }
0xae: {  	[dreg:$0x1] =	wrdreg $0xFFFFFFFF  }
0xaf: {  	[dreg:$0x0] =	wrdreg $0x60  }
0xb0: {  	[dreg:$0x2] =	wrdreg s2  }
0xb1: {  	[dreg:$0x3] =	wrdreg s19  }
0xb2: {  	[dreg:$0x4] =	wrdreg s4  }
0xb3: {  	[dreg:$0x5] =	wrdreg $0x9  }
0xb4: {  	_ =	task.clear_ibuf [dreg:s9], $0x6FFFF;
	_ =	strace $0x90000046  }
0xb5: {  	s29 =	simm.s32 $0x9;
	_ =	strace $0x80000048  }
0xb6: {  	_ =	swait.ge [sflag:s29], $0x1  }
0xb7: {  	[sflag:s29] =	ssyncadd.s32 $0xFFFFFFFF  }
0xb8: {  	_ =	strace $0x90000048  }
0xb9: {  	_ =	sfence  }
0xba: {  	s30 =	sld [smem:$0x0];
	_ =	sdelay $0x2  }
0xbb: {  	s31 =	sshll.u32 s1, $0xD;
	s1 =	sshrl.u32 s1, $0x2  }
0xbc: {  	s3 =	sand.u32 $0x4000, s31;
	s1 =	sadd.s32 s1, s30  }
0xbd: {  	s0 =	sor.u32 s3, s0;
	s1 =	sshll.u32 s1, $0x11  }
0xbe: {  	s0 =	sor.u32 s1, s0  }
0xbf: {  	s0 =	sadd.s32 $0x8F2B, s0  }
0xc0: {  	[sflag:s0] =	ssyncadd.remote.s32 $0x1  }
0xc1: {  	_ =	sfence.sel $0xFFFF  }
0xc2: {  	[dreg:$0x0] =	wrdreg $0xFFFFFFFF;
	(pc) =	sbr.abs _section_cstart, $3  }
0xc3: {  	[dreg:$0x1] =	wrdreg $0xFFFFFFFF  }
0xc4: {  	_ =	task.clear_ibuf [dreg:s9], $0x2FFFF;
	_ =	strace $0x9FFFFFFF  }
0xc5: {  	(tm) =	ssettm $0x7FFFFFFF  }
tec
execute0_lowered:
.L_overlay_start_1:
0x0: {  	(tag) =	ssettag $0x1  }
0x1: {  	s1 =	rddreg [dreg:$0x0]  }
0x2: {  	s2 =	srdreg.scid;
	s4 =	rddreg [dreg:$0x1]  }
0x3: {  	s0 =	stileid.u32;
	s9 =	rddreg [dreg:$0x2]  }
0x4: {  	s3 =	simm.s32 $0x0;
	s15 =	simm.s32 $0x1080;
	s16 =	simm.s32 $0x1880  }
0x5: {  	s17 =	simm.s32 $0x2080;
	s18 =	simm.s32 $0x2880;
	s19 =	simm.s32 $0x3080  }
0x6: {  	s20 =	simm.s32 $0x3880;
	s21 =	simm.s32 $0x4080;
	s22 =	simm.s32 $0x4880  }
0x7: {  	s23 =	simm.s32 $0x5080;
	s24 =	simm.s32 $0x5880;
	s25 =	simm.s32 $0x1  }
0x8: {  	s28 =	simm.s32 $0x3;
	s29 =	simm.s32 $0x4;
	s5 =	sand.u32 $0x1, s2  }
0x9: {  	s6 =	sshll.u32 s0, $0x6;
	s2 =	rddreg [dreg:$0x3];
	s7 =	sshll.u32 s5, $0x5  }
0xa: {  	s30 =	simm.s32 $0x5;
	[smem:$0x7FF] =	sst s3;
	s10 =	sor.u32 s7, s6  }
0xb: {  	s5 =	ssub.s32 $0x2, s5;
	_ =	strace $0x80000047;
	s12 =	sor.u32 $0x10, s10  }
0xc: {  	s26 =	sshrl.u32 s5, $0x1;
	s7 =	sadd.s32 $0x200, s1;
	s6 =	sshrl.u32 s10, $0x3;
	v0 =	vmov s10;
	v1 =	vmov s12  }
0xd: {  	s11 =	ssub.s32 s5, s26;
	s5 =	sadd.s32 $0x100, s1;
	s8 =	smul.u32 $0x300, s6;
	v0 =	vmul.u32 $0xC8, v0;
	v1 =	vmul.u32 $0xC8, v1  }
0xe: {  	v2 =	vlaneseq.u32;
	s26 =	simm.s32 $0x2;
	s31 =	smul.u32 $0x1800, s6;
	s13 =	sshrl.u32 s12, $0x3  }
0xf: {  	v3 =	vmul.u32 $0xC8, v2;
	s4 =	sadd.s32 s4, s6;
	s11 =	smax.u32 s11, $0x1;
	s13 =	smul.u32 $0x300, s13;
	v0 =	vbroadcast v0, $0x0;
	v1 =	vbroadcast v1, $0x0  }
0x10: {  	s12 =	simm.s32 $0x6;
	s6 =	sadd.s32 s9, s8;
	s14 =	sshrl.u32 s31, $0x3  }
0x11: {  	s8 =	sadd.s32 $0x300, s6;
	s14 =	sadd.s32 s9, s14;
	s9 =	sadd.s32 s9, s13;
	v0 =	vadd.s32 v3, v0;
	v1 =	vadd.s32 v3, v1;
	v3 =	vshrl.u32 v2, $0x3  }
0x12: {  	vm0 =	vmmov $0xffff;
	s13 =	simm.s32 $0x80;
	s10 =	sadd.s32 $0x900, s14;
	s14 =	simm.s32 $0x880;
	v2 =	vand.u32 $0x7, v2;
	v3 =	vmul.u32 $0x8, v3  }
.LBB2_1:
0x13: {  	[tilespmem:s3], [sflag:$0x6] =	stream.linear.gather [hbm4b:s4+s3], $0x20, $0x38;
	[tilespmem:$0x6080] =	vst v63  }
0x14: {  	_ =	swait.ge [sflag:s12], $0x20  }
0x15: {  	[sflag:s12] =	ssyncset.done $0x0  }
0x16: {  	[sflag:s12] =	ssyncadd.s32 $0xFFFFFFE0  }
0x17: {  	v4 =	vld [tilespmem:$0x0];
	_ =	sdelay $0x4  }
0x18: {  	v4 =	vadd.s32 v4, v0  }
0x19: {  	[tilespmem:$0x0] =	vst v4  }
0x1a: {  	v4 =	vld.msk [tilespmem:$0x0], $0xff;
	_ =	sdelay $0x4  }
0x1b: {  	v5 =	vshrl.u32 v4, $0x3  }
0x1c: {  	v5 =	vmul.u32 $0x30, v5  }
0x1d: {  	v4 =	vand.u32 $0x7, v4  }
0x1e: {  	v4 =	vor.u32 v4, v5  }
0x1f: {  	v5 =	vld [tilespmem:$0x10];
	v4 =	vperm.xlane v4, v2;
	_ =	sdelay $0x1  }
0x20: {  	v4 =	vadd.s32 v3, v4;
	_ =	sdelay $0x2  }
0x21: {  	v5 =	vadd.s32 v5, v1  }
0x22: {  	[tilespmem:$0x10] =	vst v5  }
0x23: {  	[tilespmem:s13], [sflag:$0x1] =	stream.indirect_vreg.gather [hbm4b:s1+s3], $0x80, v4, vm0, $0xb8;
	[tilespmem:$0x6080] =	vst v63  }
0x24: {  	_ = 	snop  }
0x25: {  	[tilespmem:s14], [sflag:$0x1] =	stream.indirect_vreg.gather [hbm4b:s5+s3], $0x80, v4, vm0, $0xb8;
	[tilespmem:$0x6080] =	vst v63  }
0x26: {  	_ = 	snop  }
0x27: {  	[tilespmem:s15], [sflag:$0x1] =	stream.indirect_vreg.gather [hbm4b:s7+s3], $0x80, v4, vm0, $0xb8;
	[tilespmem:$0x6080] =	vst v63  }
0x28: {  	v4 =	vld.msk [tilespmem:$0x8], $0xff;
	_ =	sdelay $0x4  }
0x29: {  	v5 =	vshrl.u32 v4, $0x3  }
0x2a: {  	v5 =	vmul.u32 $0x30, v5  }
0x2b: {  	v4 =	vand.u32 $0x7, v4  }
0x2c: {  	v4 =	vor.u32 v4, v5  }
0x2d: {  	v4 =	vperm.xlane v4, v2;
	_ =	sdelay $0x1  }
0x2e: {  	v4 =	vadd.s32 v3, v4;
	_ =	sdelay $0x4  }
0x2f: {  	[tilespmem:s16], [sflag:$0x2] =	stream.indirect_vreg.gather [hbm4b:s1+s3], $0x80, v4, vm0, $0xb8;
	[tilespmem:$0x6080] =	vst v63  }
0x30: {  	_ = 	snop  }
0x31: {  	[tilespmem:s17], [sflag:$0x2] =	stream.indirect_vreg.gather [hbm4b:s5+s3], $0x80, v4, vm0, $0xb8;
	[tilespmem:$0x6080] =	vst v63  }
0x32: {  	_ = 	snop  }
0x33: {  	[tilespmem:s18], [sflag:$0x2] =	stream.indirect_vreg.gather [hbm4b:s7+s3], $0x80, v4, vm0, $0xb8;
	[tilespmem:$0x6080] =	vst v63  }
0x34: {  	v4 =	vld.msk [tilespmem:$0x10], $0xff;
	_ =	sdelay $0x4  }
0x35: {  	v5 =	vshrl.u32 v4, $0x3  }
0x36: {  	v5 =	vmul.u32 $0x30, v5  }
0x37: {  	v4 =	vand.u32 $0x7, v4  }
0x38: {  	v4 =	vor.u32 v4, v5  }
0x39: {  	v4 =	vperm.xlane v4, v2;
	_ =	sdelay $0x1  }
0x3a: {  	v4 =	vadd.s32 v3, v4;
	_ =	sdelay $0x4  }
0x3b: {  	[tilespmem:s19], [sflag:$0x3] =	stream.indirect_vreg.gather [hbm4b:s1+s3], $0x80, v4, vm0, $0xb8;
	[tilespmem:$0x6080] =	vst v63  }
0x3c: {  	_ = 	snop  }
0x3d: {  	[tilespmem:s20], [sflag:$0x3] =	stream.indirect_vreg.gather [hbm4b:s5+s3], $0x80, v4, vm0, $0xb8;
	[tilespmem:$0x6080] =	vst v63  }
0x3e: {  	_ = 	snop  }
0x3f: {  	[tilespmem:s21], [sflag:$0x3] =	stream.indirect_vreg.gather [hbm4b:s7+s3], $0x80, v4, vm0, $0xb8;
	[tilespmem:$0x6080] =	vst v63  }
0x40: {  	v4 =	vld.msk [tilespmem:$0x18], $0xff;
	_ =	sdelay $0x4  }
0x41: {  	v5 =	vshrl.u32 v4, $0x3  }
0x42: {  	v5 =	vmul.u32 $0x30, v5  }
0x43: {  	v4 =	vand.u32 $0x7, v4  }
0x44: {  	v4 =	vor.u32 v4, v5  }
0x45: {  	v4 =	vperm.xlane v4, v2;
	_ =	sdelay $0x1  }
0x46: {  	v4 =	vadd.s32 v3, v4;
	_ =	sdelay $0x4  }
0x47: {  	[tilespmem:s22], [sflag:$0x4] =	stream.indirect_vreg.gather [hbm4b:s1+s3], $0x80, v4, vm0, $0xb8;
	[tilespmem:$0x6080] =	vst v63  }
0x48: {  	_ = 	snop  }
0x49: {  	[tilespmem:s23], [sflag:$0x4] =	stream.indirect_vreg.gather [hbm4b:s5+s3], $0x80, v4, vm0, $0xb8;
	[tilespmem:$0x6080] =	vst v63  }
0x4a: {  	_ = 	snop  }
0x4b: {  	[tilespmem:s24], [sflag:$0x4] =	stream.indirect_vreg.gather [hbm4b:s7+s3], $0x80, v4, vm0, $0xb8;
	[tilespmem:$0x6080] =	vst v63  }
0x4c: {  	_ =	swait.ge [sflag:s25], $0x1800  }
0x4d: {  	[sflag:s25] =	ssyncset.done $0x0  }
0x4e: {  	[sflag:s25] =	ssyncadd.s32 $0xFFFFE800  }
0x4f: {  	[hbm4b:s6+s3] =	stream.linear.scatter [tilespmem:s13], [sflag:$0x5], $0x1800, $0x38;
	[tilespmem:$0x6080] =	vst v63  }
0x50: {  	_ =	swait.ge [sflag:s26], $0x1800  }
0x51: {  	[sflag:s26] =	ssyncset.done $0x0  }
0x52: {  	[sflag:s26] =	ssyncadd.s32 $0xFFFFE800  }
0x53: {  	[hbm4b:s8+s3] =	stream.linear.scatter [tilespmem:s16], [sflag:$0x5], $0x1800, $0x38;
	[tilespmem:$0x6080] =	vst v63  }
0x54: {  	_ =	swait.ge [sflag:s28], $0x1800  }
0x55: {  	[sflag:s28] =	ssyncset.done $0x0  }
0x56: {  	[sflag:s28] =	ssyncadd.s32 $0xFFFFE800  }
0x57: {  	[hbm4b:s9+s3] =	stream.linear.scatter [tilespmem:s19], [sflag:$0x5], $0x1800, $0x38;
	[tilespmem:$0x6080] =	vst v63  }
0x58: {  	_ =	swait.ge [sflag:s29], $0x1800  }
0x59: {  	[sflag:s29] =	ssyncset.done $0x0  }
0x5a: {  	[sflag:s29] =	ssyncadd.s32 $0xFFFFE800  }
0x5b: {  	[hbm4b:s10+s3] =	stream.linear.scatter [tilespmem:s22], [sflag:$0x5], $0x1800, $0x38;
	[tilespmem:$0x6080] =	vst v63  }
0x5c: {  	_ =	swait.ge [sflag:s30], $0x1800  }
0x5d: {  	[sflag:s30] =	ssyncset.done $0x0  }
0x5e: {  	[sflag:s30] =	ssyncadd.s32 $0xFFFFE800  }
0x5f: {  	_ =	swait.ge [sflag:s30], $0x1800  }
0x60: {  	[sflag:s30] =	ssyncset.done $0x0  }
0x61: {  	[sflag:s30] =	ssyncadd.s32 $0xFFFFE800  }
0x62: {  	p0 =	sne.s32 s11, $0x1;
	_ =	swait.ge [sflag:s30], $0x1800  }
.Ltmp0:
0x63: {  	[sflag:s30] =	ssyncset.done $0x0;
	(pc) =	sbr.rel @p0 .LBB2_1-.Ltmp0, $4  }
0x64: {  	[sflag:s30] =	ssyncadd.s32 $0xFFFFE800  }
0x65: {  	_ =	swait.ge [sflag:s30], $0x1800  }
0x66: {  	[sflag:s30] =	ssyncset.done $0x0  }
0x67: {  	s11 =	sadd.s32 $0xFFFFFFFF, s11;
	[sflag:s30] =	ssyncadd.s32 $0xFFFFE800  }
0x68: {  	_ =	sfence.sel $0x180000  }
0x69: {  	[bflag:$0x0] =	sbarrier.arrive $0xFFFF  }
0x6a: {  	p0 =	sne.s32 s0, $0x0;
	_ =	strace $0x90000047  }
0x6b: {  	s0 =	sadd.s32 @!p0 $0x100000, s2;
	[bflag:$0x2] =	sbarrier.arrive $0xFFFF  }
0x6c: {  	[sflag:s0] =	ssyncadd.tile.s32 @!p0 $0x1;
	_ =	shalt  }
.Lfunc_end2:
_tile_overlayer_lowered:
.L_overlay_start_2:
0x6d: {  	(tag) =	ssettag $0x2  }
0x6e: {  	s0 =	rddreg [dreg:$0x0];
	s2 =	stileid.u32  }
0x6f: {  	s1 =	rddreg [dreg:$0x1];
	p0 =	sne.s32 s2, $0x0  }
0x70: {  	s3 =	rddreg [dreg:$0x2];
	[bflag:$0x3] =	sbarrier.arrive $0xFFFF;
	s2 =	simm.s32 @!p0 $0x1C06  }
0x71: {  	[timem:s3], [sflag:s2] =	dma.local @!p0 [hbm:s0], s1  }
0x72: {  	s0 =	simm.s32 @!p0 $0x6  }
0x73: {  	_ =	swait.ge @!p0 [sflag:s0], s1  }
0x74: {  	s1 =	ssub.s32 @!p0 $0x0, s1;
	[sflag:s0] =	ssyncset.done @!p0 $0x0  }
0x75: {  	[sflag:s0] =	ssyncadd.s32 @!p0 s1  }
0x76: {  	[bflag:$0x3] =	sbarrier.arrive $0xFFFF  }
0x77: {  	_ =	shalt  }

</sc_bundles>
